<compile_context>
chip_gen: v7x
topology: tpu7x:2x2x1
jax: 0.10.2.dev20260603
libtpu: 0.0.44.dev20260713+nightly
codegen_flags: <defaults>
</compile_context>

<pallas_src>
import functools

import jax
import jax.numpy as jnp
from jax import lax
from jax.experimental import pallas as pl
from jax.experimental.pallas import tpu as pltpu
from jax.experimental.pallas import tpu_sc as plsc

_OUT = 65
_L = 2048
_H = 128
_N = 16
_C = 32
_CB = 32
_NB = 4
_ALN = 72
_CH = 4

_mesh = plsc.VectorSubcoreMesh(core_axis_name="c", subcore_axis_name="s")


def _mask_kernel(x_ref, mask_ref):
    xb = x_ref[...]
    nz = xb != 0.0
    idx = jax.lax.broadcasted_iota(jnp.int32, xb.shape, 2)
    first = jnp.min(jnp.where(nz, idx, _L), axis=2, keepdims=True)
    last = jnp.max(jnp.where(nz, idx, -1), axis=2, keepdims=True)
    mask_ref[...] = (idx >= first) & (idx <= last)


@functools.partial(
    pl.kernel,
    out_type=jax.ShapeDtypeStruct((_N, _C, _OUT, _OUT), jnp.float32),
    mesh=_mesh,
    scratch_types=[
        pltpu.VMEM((_CH, _ALN, _H), jnp.float32),
        pltpu.VMEM((_CH, _OUT, _OUT), jnp.float32),
    ],
)
def _resize_sc(m_hbm, out_hbm, vmem_a, vmem_b):
    cid = lax.axis_index("c")
    sid = lax.axis_index("s")
    wid = sid * 2 + cid
    n = wid // 2
    cbase = (wid % 2) * 16

    def do_chunk(k, carry):
        cstart = cbase + k * _CH
        pltpu.sync_copy(
            m_hbm.at[n, pl.ds(cstart, _CH), : _ALN, :], vmem_a
        )

        def row_body(r, carry2):
            for ch in range(_CH):
                for c0 in (0, 16, 32, 48, 49):
                    vmem_b[ch, r, pl.ds(c0, 16)] = vmem_a[ch, r, pl.ds(c0, 16)]
            return carry2

        lax.fori_loop(0, _OUT, row_body, 0)
        pltpu.sync_copy(vmem_b, out_hbm.at[n, pl.ds(cstart, _CH)])
        return carry

    lax.fori_loop(0, 16 // _CH, do_chunk, 0)


def kernel(x, matrix):
    N, C, L = x.shape
    mask = pl.pallas_call(
        _mask_kernel,
        grid=(N // _NB, C // _CB),
        in_specs=[pl.BlockSpec((_NB, _CB, L), lambda n, c: (n, c, 0))],
        out_specs=pl.BlockSpec((_NB, _CB, L), lambda n, c: (n, c, 0)),
        out_shape=jax.ShapeDtypeStruct((N, C, L), jnp.bool_),
    )(x)
    resized = _resize_sc(matrix)
    return mask, resized

# --- scband reference (transcript-rebuilt; emitter-appended) ---
"""Pipeline reference for scband-base-time2-img-11081015624362 (READ-ONLY COPY).

The authoritative reference and input builder live on the scoring server;
editing this copy changes nothing except your own understanding.
"""

import jax, jax.numpy as jnp
import numpy as np

OUTPUT_SIZE = 65


def setup_inputs(seed: int = 0) -> dict:
    key = jax.random.key(seed)
    k1, k2 = jax.random.split(key)
    x = jax.random.normal(k1, (16, 32, 2048), dtype=jnp.float32)
    matrix = jax.random.normal(k2, (16, 32, 128, 128), dtype=jnp.float32)
    return {"x": x, "matrix": matrix}


def get_valid_region(x):
    # Vectorized equivalent of the original per-(n,c) two-pointer loop:
    # mark positions between the first and last nonzero entry of each row.
    nz = x != 0
    has_nz = jnp.any(nz, axis=-1)
    L = x.shape[-1]
    first = jnp.argmax(nz, axis=-1)
    last = L - 1 - jnp.argmax(nz[..., ::-1], axis=-1)
    idx = jnp.arange(L)
    mask = (idx[None, None, :] >= first[..., None]) & (idx[None, None, :] <= last[..., None])
    mask = mask & has_nz[..., None]
    return mask


def resize_matrix(matrix, output_size):
    N, C, H, W = matrix.shape
    out = jnp.zeros((N, C, output_size, output_size), dtype=matrix.dtype)
    size = min(H, output_size)
    out = out.at[:, :, :size, :size].set(matrix[:, :, :size, :size])
    return out


def reference(x, matrix):
    valid_mask = get_valid_region(x)
    resized = resize_matrix(matrix, OUTPUT_SIZE)
    return (valid_mask, resized)

if __name__ == "__main__":
    import jax
    _d = setup_inputs()
    print(jax.jit(kernel)(*tuple(_d.values())))

</pallas_src>

<mosaic_0001>
#map = affine_map<(d0, d1) -> (0, 0, 0, 0)>
module attributes {stable_mosaic.version = 14 : i64} {
  func.func @_resize_sc(%arg0: i32, %arg1: i32, %arg2: memref<16x32x128x128xf32, #tpu.memory_space<hbm>>, %arg3: memref<16x32x65x65xf32, #tpu.memory_space<hbm>>, %arg4: memref<4x72x128xf32, #tpu.memory_space<vmem>>, %arg5: memref<4x65x65xf32, #tpu.memory_space<vmem>>) attributes {dimension_semantics = [#tpu.dimension_semantics<core_parallel>, #tpu.dimension_semantics<subcore_parallel>], iteration_bounds = array<i64: 2, 16>, scalar_prefetch = 0 : i64, scratch_operands = 2 : i64, tpu.core_type = #tpu.core_type<sc_vector_subcore>, window_params = [{transform_indices = #map}, {transform_indices = #map}]} {
    %mul3A = arith.constant 2 : i32
    %mul3A_0 = arith.muli %arg1, %mul3A : i32
    %add3A = arith.addi %mul3A_0, %arg0 : i32
    %jit3A = arith.constant 2 : i32
    %div3A = arith.divsi %add3A, %jit3A : i32
    %sign3A = arith.constant 0 : i32
    %sign3A_1 = arith.cmpi sgt, %add3A, %sign3A : i32
    %sign3A_2 = arith.extui %sign3A_1 : i1 to i32
    %sign3A_3 = arith.constant 0 : i32
    %sign3A_4 = arith.cmpi slt, %add3A, %sign3A_3 : i32
    %sign3A_5 = arith.extui %sign3A_4 : i1 to i32
    %sign3A_6 = arith.subi %sign3A_2, %sign3A_5 : i32
    %sign3A_7 = arith.constant 0 : i32
    %sign3A_8 = arith.cmpi sgt, %jit3A, %sign3A_7 : i32
    %sign3A_9 = arith.extui %sign3A_8 : i1 to i32
    %sign3A_10 = arith.constant 0 : i32
    %sign3A_11 = arith.cmpi slt, %jit3A, %sign3A_10 : i32
    %sign3A_12 = arith.extui %sign3A_11 : i1 to i32
    %sign3A_13 = arith.subi %sign3A_9, %sign3A_12 : i32
    %ne3A = arith.cmpi ne, %sign3A_6, %sign3A_13 : i32
    %rem3A = arith.remsi %add3A, %jit3A : i32
    %ne3A_14 = arith.constant 0 : i32
    %ne3A_15 = arith.cmpi ne, %rem3A, %ne3A_14 : i32
    %and3A = arith.andi %ne3A, %ne3A_15 : i1
    %sub3A = arith.constant 1 : i32
    %sub3A_16 = arith.subi %div3A, %sub3A : i32
    %select_n3A = arith.select %and3A, %sub3A_16, %div3A : i32
    %jit3A_17 = arith.constant 2 : i32
    %eq3A = arith.constant 0 : i32
    %eq3A_18 = arith.cmpi eq, %jit3A_17, %eq3A : i32
    %jit3A_19 = arith.constant 1 : i32
    %select_n3A_20 = arith.select %eq3A_18, %jit3A_19, %jit3A_17 : i32
    %rem3A_21 = arith.remsi %add3A, %select_n3A_20 : i32
    %ne3A_22 = arith.constant 0 : i32
    %ne3A_23 = arith.cmpi ne, %rem3A_21, %ne3A_22 : i32
    %lt3A = arith.constant 0 : i32
    %lt3A_24 = arith.cmpi slt, %rem3A_21, %lt3A : i32
    %lt3A_25 = arith.constant 0 : i32
    %lt3A_26 = arith.cmpi slt, %select_n3A_20, %lt3A_25 : i32
    %ne3A_27 = arith.xori %lt3A_24, %lt3A_26 : i1
    %and3A_28 = arith.andi %ne3A_27, %ne3A_23 : i1
    %add3A_29 = arith.addi %rem3A_21, %select_n3A_20 : i32
    %select_n3A_30 = arith.select %and3A_28, %add3A_29, %rem3A_21 : i32
    %mul3A_31 = arith.constant 16 : i32
    %mul3A_32 = arith.muli %select_n3A_30, %mul3A_31 : i32
    %scan3A = arith.constant 0 : i32
    %scan3A_33 = arith.constant 0 : i32
    %scan3A_34 = arith.constant 4 : i32
    %scan3A_35 = arith.addi %scan3A_33, %scan3A_34 : i32
    %scan3A_36 = arith.constant 1 : i32
    scf.for %scan3A_38 = %scan3A_33 to %scan3A_35 step %scan3A_36  : i32 {
      %mul3A_39 = arith.constant 4 : i32
      %mul3A_40 = arith.muli %scan3A_38, %mul3A_39 : i32
      %add3A_41 = arith.addi %mul3A_32, %mul3A_40 : i32
      "tpu.region"() ({
        %run_scoped3A = tpu.sem_alloc : memref<!tpu.dma_semaphore, #tpu.memory_space<semaphore_mem>>
        %dma_start3A = arith.constant 0 : i32
        %dma_start3A_48 = arith.constant 0 : i32
        %dma_start3A_49 = tpu.memref_slice %arg2[%select_n3A, %add3A_41, %dma_start3A, %dma_start3A_48] : memref<16x32x128x128xf32, #tpu.memory_space<hbm>> -> memref<1x4x72x128xf32, #tpu.memory_space<hbm>>
        %dma_start3A_50 = tpu.memref_squeeze %dma_start3A_49 : memref<1x4x72x128xf32, #tpu.memory_space<hbm>> -> memref<4x72x128xf32, #tpu.memory_space<hbm>>
        %dma_start3A_51 = arith.constant 0 : i32
        %dma_start3A_52 = arith.constant 0 : i32
        %dma_start3A_53 = tpu.memref_slice %arg2[%select_n3A, %add3A_41, %dma_start3A_51, %dma_start3A_52] : memref<16x32x128x128xf32, #tpu.memory_space<hbm>> -> memref<1x4x72x128xf32, #tpu.memory_space<hbm>>
        %dma_start3A_54 = tpu.memref_squeeze %dma_start3A_53 : memref<1x4x72x128xf32, #tpu.memory_space<hbm>> -> memref<4x72x128xf32, #tpu.memory_space<hbm>>
        tpu.enqueue_dma source(%dma_start3A_54 : memref<4x72x128xf32, #tpu.memory_space<hbm>>) target(%arg4 : memref<4x72x128xf32, #tpu.memory_space<vmem>>) target_semaphore(%run_scoped3A : memref<!tpu.dma_semaphore, #tpu.memory_space<semaphore_mem>>)
        %dma_wait3A = arith.constant 0 : i32
        %dma_wait3A_55 = arith.constant 0 : i32
        %dma_wait3A_56 = tpu.memref_slice %arg2[%select_n3A, %add3A_41, %dma_wait3A, %dma_wait3A_55] : memref<16x32x128x128xf32, #tpu.memory_space<hbm>> -> memref<1x4x72x128xf32, #tpu.memory_space<hbm>>
        %dma_wait3A_57 = tpu.memref_squeeze %dma_wait3A_56 : memref<1x4x72x128xf32, #tpu.memory_space<hbm>> -> memref<4x72x128xf32, #tpu.memory_space<hbm>>
        %dma_wait3A_58 = arith.constant 0 : i32
        %dma_wait3A_59 = arith.constant 0 : i32
        %dma_wait3A_60 = tpu.memref_slice %arg2[%select_n3A, %add3A_41, %dma_wait3A_58, %dma_wait3A_59] : memref<16x32x128x128xf32, #tpu.memory_space<hbm>> -> memref<1x4x72x128xf32, #tpu.memory_space<hbm>>
        %dma_wait3A_61 = tpu.memref_squeeze %dma_wait3A_60 : memref<1x4x72x128xf32, #tpu.memory_space<hbm>> -> memref<4x72x128xf32, #tpu.memory_space<hbm>>
        tpu.wait_dma2 semaphore(%run_scoped3A : memref<!tpu.dma_semaphore, #tpu.memory_space<semaphore_mem>>) src(%dma_wait3A_61 : memref<4x72x128xf32, #tpu.memory_space<hbm>>) dst(%arg4 : memref<4x72x128xf32, #tpu.memory_space<vmem>>)
        tpu.yield
      }) : () -> ()
      %scan3A_42 = arith.constant 0 : i32
      %scan3A_43 = arith.constant 0 : i32
      %scan3A_44 = arith.constant 65 : i32
      %scan3A_45 = arith.addi %scan3A_43, %scan3A_44 : i32
      %scan3A_46 = arith.constant 1 : i32
      scf.for %scan3A_48 = %scan3A_43 to %scan3A_45 step %scan3A_46  : i32 {
        %get3A = arith.constant 0 : i32
        %get3A_49 = arith.index_cast %get3A : i32 to index
        %get3A_50 = arith.index_cast %scan3A_48 : i32 to index
        %get3A_51 = arith.constant 0 : index
        %get3A_52 = tpu.vector_load %arg4[%get3A_49, %get3A_50, %get3A_51] {strides = array<i32>} : memref<4x72x128xf32, #tpu.memory_space<vmem>>, vector<1x1x16xf32>,
        %get3A_53 = vector.shape_cast %get3A_52 : vector<1x1x16xf32> to vector<16xf32>
        %swap3A = arith.constant 0 : i32
        %swap3A_54 = arith.index_cast %swap3A : i32 to index
        %swap3A_55 = arith.index_cast %scan3A_48 : i32 to index
        %swap3A_56 = arith.constant 0 : index
        %swap3A_57 = tpu.vector_load %arg5[%swap3A_54, %swap3A_55, %swap3A_56] {strides = array<i32>} : memref<4x65x65xf32, #tpu.memory_space<vmem>>, vector<1x1x16xf32>,
        %swap3A_58 = vector.shape_cast %swap3A_57 : vector<1x1x16xf32> to vector<16xf32>
        %swap3A_59 = vector.shape_cast %get3A_53 : vector<16xf32> to vector<1x1x16xf32>
        tpu.vector_store %arg5[%swap3A_54, %swap3A_55, %swap3A_56], %swap3A_59 {strides = array<i32>} : memref<4x65x65xf32, #tpu.memory_space<vmem>>, vector<1x1x16xf32>,
        %get3A_60 = arith.constant 0 : i32
        %get3A_61 = arith.index_cast %get3A_60 : i32 to index
        %get3A_62 = arith.index_cast %scan3A_48 : i32 to index
        %get3A_63 = arith.constant 16 : index
        %get3A_64 = tpu.vector_load %arg4[%get3A_61, %get3A_62, %get3A_63] {strides = array<i32>} : memref<4x72x128xf32, #tpu.memory_space<vmem>>, vector<1x1x16xf32>,
        %get3A_65 = vector.shape_cast %get3A_64 : vector<1x1x16xf32> to vector<16xf32>
        %swap3A_66 = arith.constant 0 : i32
        %swap3A_67 = arith.index_cast %swap3A_66 : i32 to index
        %swap3A_68 = arith.index_cast %scan3A_48 : i32 to index
        %swap3A_69 = arith.constant 16 : index
        %swap3A_70 = tpu.vector_load %arg5[%swap3A_67, %swap3A_68, %swap3A_69] {strides = array<i32>} : memref<4x65x65xf32, #tpu.memory_space<vmem>>, vector<1x1x16xf32>,
        %swap3A_71 = vector.shape_cast %swap3A_70 : vector<1x1x16xf32> to vector<16xf32>
        %swap3A_72 = vector.shape_cast %get3A_65 : vector<16xf32> to vector<1x1x16xf32>
        tpu.vector_store %arg5[%swap3A_67, %swap3A_68, %swap3A_69], %swap3A_72 {strides = array<i32>} : memref<4x65x65xf32, #tpu.memory_space<vmem>>, vector<1x1x16xf32>,
        %get3A_73 = arith.constant 0 : i32
        %get3A_74 = arith.index_cast %get3A_73 : i32 to index
        %get3A_75 = arith.index_cast %scan3A_48 : i32 to index
        %get3A_76 = arith.constant 32 : index
        %get3A_77 = tpu.vector_load %arg4[%get3A_74, %get3A_75, %get3A_76] {strides = array<i32>} : memref<4x72x128xf32, #tpu.memory_space<vmem>>, vector<1x1x16xf32>,
        %get3A_78 = vector.shape_cast %get3A_77 : vector<1x1x16xf32> to vector<16xf32>
        %swap3A_79 = arith.constant 0 : i32
        %swap3A_80 = arith.index_cast %swap3A_79 : i32 to index
        %swap3A_81 = arith.index_cast %scan3A_48 : i32 to index
        %swap3A_82 = arith.constant 32 : index
        %swap3A_83 = tpu.vector_load %arg5[%swap3A_80, %swap3A_81, %swap3A_82] {strides = array<i32>} : memref<4x65x65xf32, #tpu.memory_space<vmem>>, vector<1x1x16xf32>,
        %swap3A_84 = vector.shape_cast %swap3A_83 : vector<1x1x16xf32> to vector<16xf32>
        %swap3A_85 = vector.shape_cast %get3A_78 : vector<16xf32> to vector<1x1x16xf32>
        tpu.vector_store %arg5[%swap3A_80, %swap3A_81, %swap3A_82], %swap3A_85 {strides = array<i32>} : memref<4x65x65xf32, #tpu.memory_space<vmem>>, vector<1x1x16xf32>,
        %get3A_86 = arith.constant 0 : i32
        %get3A_87 = arith.index_cast %get3A_86 : i32 to index
        %get3A_88 = arith.index_cast %scan3A_48 : i32 to index
        %get3A_89 = arith.constant 48 : index
        %get3A_90 = tpu.vector_load %arg4[%get3A_87, %get3A_88, %get3A_89] {strides = array<i32>} : memref<4x72x128xf32, #tpu.memory_space<vmem>>, vector<1x1x16xf32>,
        %get3A_91 = vector.shape_cast %get3A_90 : vector<1x1x16xf32> to vector<16xf32>
        %swap3A_92 = arith.constant 0 : i32
        %swap3A_93 = arith.index_cast %swap3A_92 : i32 to index
        %swap3A_94 = arith.index_cast %scan3A_48 : i32 to index
        %swap3A_95 = arith.constant 48 : index
        %swap3A_96 = tpu.vector_load %arg5[%swap3A_93, %swap3A_94, %swap3A_95] {strides = array<i32>} : memref<4x65x65xf32, #tpu.memory_space<vmem>>, vector<1x1x16xf32>,
        %swap3A_97 = vector.shape_cast %swap3A_96 : vector<1x1x16xf32> to vector<16xf32>
        %swap3A_98 = vector.shape_cast %get3A_91 : vector<16xf32> to vector<1x1x16xf32>
        tpu.vector_store %arg5[%swap3A_93, %swap3A_94, %swap3A_95], %swap3A_98 {strides = array<i32>} : memref<4x65x65xf32, #tpu.memory_space<vmem>>, vector<1x1x16xf32>,
        %get3A_99 = arith.constant 0 : i32
        %get3A_100 = arith.index_cast %get3A_99 : i32 to index
        %get3A_101 = arith.index_cast %scan3A_48 : i32 to index
        %get3A_102 = arith.constant 49 : index
        %get3A_103 = tpu.vector_load %arg4[%get3A_100, %get3A_101, %get3A_102] {strides = array<i32>} : memref<4x72x128xf32, #tpu.memory_space<vmem>>, vector<1x1x16xf32>,
        %get3A_104 = vector.shape_cast %get3A_103 : vector<1x1x16xf32> to vector<16xf32>
        %swap3A_105 = arith.constant 0 : i32
        %swap3A_106 = arith.index_cast %swap3A_105 : i32 to index
        %swap3A_107 = arith.index_cast %scan3A_48 : i32 to index
        %swap3A_108 = arith.constant 49 : index
        %swap3A_109 = tpu.vector_load %arg5[%swap3A_106, %swap3A_107, %swap3A_108] {strides = array<i32>} : memref<4x65x65xf32, #tpu.memory_space<vmem>>, vector<1x1x16xf32>,
        %swap3A_110 = vector.shape_cast %swap3A_109 : vector<1x1x16xf32> to vector<16xf32>
        %swap3A_111 = vector.shape_cast %get3A_104 : vector<16xf32> to vector<1x1x16xf32>
        tpu.vector_store %arg5[%swap3A_106, %swap3A_107, %swap3A_108], %swap3A_111 {strides = array<i32>} : memref<4x65x65xf32, #tpu.memory_space<vmem>>, vector<1x1x16xf32>,
        %get3A_112 = arith.constant 1 : i32
        %get3A_113 = arith.index_cast %get3A_112 : i32 to index
        %get3A_114 = arith.index_cast %scan3A_48 : i32 to index
        %get3A_115 = arith.constant 0 : index
        %get3A_116 = tpu.vector_load %arg4[%get3A_113, %get3A_114, %get3A_115] {strides = array<i32>} : memref<4x72x128xf32, #tpu.memory_space<vmem>>, vector<1x1x16xf32>,
        %get3A_117 = vector.shape_cast %get3A_116 : vector<1x1x16xf32> to vector<16xf32>
        %swap3A_118 = arith.constant 1 : i32
        %swap3A_119 = arith.index_cast %swap3A_118 : i32 to index
        %swap3A_120 = arith.index_cast %scan3A_48 : i32 to index
        %swap3A_121 = arith.constant 0 : index
        %swap3A_122 = tpu.vector_load %arg5[%swap3A_119, %swap3A_120, %swap3A_121] {strides = array<i32>} : memref<4x65x65xf32, #tpu.memory_space<vmem>>, vector<1x1x16xf32>,
        %swap3A_123 = vector.shape_cast %swap3A_122 : vector<1x1x16xf32> to vector<16xf32>
        %swap3A_124 = vector.shape_cast %get3A_117 : vector<16xf32> to vector<1x1x16xf32>
        tpu.vector_store %arg5[%swap3A_119, %swap3A_120, %swap3A_121], %swap3A_124 {strides = array<i32>} : memref<4x65x65xf32, #tpu.memory_space<vmem>>, vector<1x1x16xf32>,
        %get3A_125 = arith.constant 1 : i32
        %get3A_126 = arith.index_cast %get3A_125 : i32 to index
        %get3A_127 = arith.index_cast %scan3A_48 : i32 to index
        %get3A_128 = arith.constant 16 : index
        %get3A_129 = tpu.vector_load %arg4[%get3A_126, %get3A_127, %get3A_128] {strides = array<i32>} : memref<4x72x128xf32, #tpu.memory_space<vmem>>, vector<1x1x16xf32>,
        %get3A_130 = vector.shape_cast %get3A_129 : vector<1x1x16xf32> to vector<16xf32>
        %swap3A_131 = arith.constant 1 : i32
        %swap3A_132 = arith.index_cast %swap3A_131 : i32 to index
        %swap3A_133 = arith.index_cast %scan3A_48 : i32 to index
        %swap3A_134 = arith.constant 16 : index
        %swap3A_135 = tpu.vector_load %arg5[%swap3A_132, %swap3A_133, %swap3A_134] {strides = array<i32>} : memref<4x65x65xf32, #tpu.memory_space<vmem>>, vector<1x1x16xf32>,
        %swap3A_136 = vector.shape_cast %swap3A_135 : vector<1x1x16xf32> to vector<16xf32>
        %swap3A_137 = vector.shape_cast %get3A_130 : vector<16xf32> to vector<1x1x16xf32>
        tpu.vector_store %arg5[%swap3A_132, %swap3A_133, %swap3A_134], %swap3A_137 {strides = array<i32>} : memref<4x65x65xf32, #tpu.memory_space<vmem>>, vector<1x1x16xf32>,
        %get3A_138 = arith.constant 1 : i32
        %get3A_139 = arith.index_cast %get3A_138 : i32 to index
        %get3A_140 = arith.index_cast %scan3A_48 : i32 to index
        %get3A_141 = arith.constant 32 : index
        %get3A_142 = tpu.vector_load %arg4[%get3A_139, %get3A_140, %get3A_141] {strides = array<i32>} : memref<4x72x128xf32, #tpu.memory_space<vmem>>, vector<1x1x16xf32>,
        %get3A_143 = vector.shape_cast %get3A_142 : vector<1x1x16xf32> to vector<16xf32>
        %swap3A_144 = arith.constant 1 : i32
        %swap3A_145 = arith.index_cast %swap3A_144 : i32 to index
        %swap3A_146 = arith.index_cast %scan3A_48 : i32 to index
        %swap3A_147 = arith.constant 32 : index
        %swap3A_148 = tpu.vector_load %arg5[%swap3A_145, %swap3A_146, %swap3A_147] {strides = array<i32>} : memref<4x65x65xf32, #tpu.memory_space<vmem>>, vector<1x1x16xf32>,
        %swap3A_149 = vector.shape_cast %swap3A_148 : vector<1x1x16xf32> to vector<16xf32>
        %swap3A_150 = vector.shape_cast %get3A_143 : vector<16xf32> to vector<1x1x16xf32>
        tpu.vector_store %arg5[%swap3A_145, %swap3A_146, %swap3A_147], %swap3A_150 {strides = array<i32>} : memref<4x65x65xf32, #tpu.memory_space<vmem>>, vector<1x1x16xf32>,
        %get3A_151 = arith.constant 1 : i32
        %get3A_152 = arith.index_cast %get3A_151 : i32 to index
        %get3A_153 = arith.index_cast %scan3A_48 : i32 to index
        %get3A_154 = arith.constant 48 : index
        %get3A_155 = tpu.vector_load %arg4[%get3A_152, %get3A_153, %get3A_154] {strides = array<i32>} : memref<4x72x128xf32, #tpu.memory_space<vmem>>, vector<1x1x16xf32>,
        %get3A_156 = vector.shape_cast %get3A_155 : vector<1x1x16xf32> to vector<16xf32>
        %swap3A_157 = arith.constant 1 : i32
        %swap3A_158 = arith.index_cast %swap3A_157 : i32 to index
        %swap3A_159 = arith.index_cast %scan3A_48 : i32 to index
        %swap3A_160 = arith.constant 48 : index
        %swap3A_161 = tpu.vector_load %arg5[%swap3A_158, %swap3A_159, %swap3A_160] {strides = array<i32>} : memref<4x65x65xf32, #tpu.memory_space<vmem>>, vector<1x1x16xf32>,
        %swap3A_162 = vector.shape_cast %swap3A_161 : vector<1x1x16xf32> to vector<16xf32>
        %swap3A_163 = vector.shape_cast %get3A_156 : vector<16xf32> to vector<1x1x16xf32>
        tpu.vector_store %arg5[%swap3A_158, %swap3A_159, %swap3A_160], %swap3A_163 {strides = array<i32>} : memref<4x65x65xf32, #tpu.memory_space<vmem>>, vector<1x1x16xf32>,
        %get3A_164 = arith.constant 1 : i32
        %get3A_165 = arith.index_cast %get3A_164 : i32 to index
        %get3A_166 = arith.index_cast %scan3A_48 : i32 to index
        %get3A_167 = arith.constant 49 : index
        %get3A_168 = tpu.vector_load %arg4[%get3A_165, %get3A_166, %get3A_167] {strides = array<i32>} : memref<4x72x128xf32, #tpu.memory_space<vmem>>, vector<1x1x16xf32>,
        %get3A_169 = vector.shape_cast %get3A_168 : vector<1x1x16xf32> to vector<16xf32>
        %swap3A_170 = arith.constant 1 : i32
        %swap3A_171 = arith.index_cast %swap3A_170 : i32 to index
        %swap3A_172 = arith.index_cast %scan3A_48 : i32 to index
        %swap3A_173 = arith.constant 49 : index
        %swap3A_174 = tpu.vector_load %arg5[%swap3A_171, %swap3A_172, %swap3A_173] {strides = array<i32>} : memref<4x65x65xf32, #tpu.memory_space<vmem>>, vector<1x1x16xf32>,
        %swap3A_175 = vector.shape_cast %swap3A_174 : vector<1x1x16xf32> to vector<16xf32>
        %swap3A_176 = vector.shape_cast %get3A_169 : vector<16xf32> to vector<1x1x16xf32>
        tpu.vector_store %arg5[%swap3A_171, %swap3A_172, %swap3A_173], %swap3A_176 {strides = array<i32>} : memref<4x65x65xf32, #tpu.memory_space<vmem>>, vector<1x1x16xf32>,
        %get3A_177 = arith.constant 2 : i32
        %get3A_178 = arith.index_cast %get3A_177 : i32 to index
        %get3A_179 = arith.index_cast %scan3A_48 : i32 to index
        %get3A_180 = arith.constant 0 : index
        %get3A_181 = tpu.vector_load %arg4[%get3A_178, %get3A_179, %get3A_180] {strides = array<i32>} : memref<4x72x128xf32, #tpu.memory_space<vmem>>, vector<1x1x16xf32>,
        %get3A_182 = vector.shape_cast %get3A_181 : vector<1x1x16xf32> to vector<16xf32>
        %swap3A_183 = arith.constant 2 : i32
        %swap3A_184 = arith.index_cast %swap3A_183 : i32 to index
        %swap3A_185 = arith.index_cast %scan3A_48 : i32 to index
        %swap3A_186 = arith.constant 0 : index
        %swap3A_187 = tpu.vector_load %arg5[%swap3A_184, %swap3A_185, %swap3A_186] {strides = array<i32>} : memref<4x65x65xf32, #tpu.memory_space<vmem>>, vector<1x1x16xf32>,
        %swap3A_188 = vector.shape_cast %swap3A_187 : vector<1x1x16xf32> to vector<16xf32>
        %swap3A_189 = vector.shape_cast %get3A_182 : vector<16xf32> to vector<1x1x16xf32>
        tpu.vector_store %arg5[%swap3A_184, %swap3A_185, %swap3A_186], %swap3A_189 {strides = array<i32>} : memref<4x65x65xf32, #tpu.memory_space<vmem>>, vector<1x1x16xf32>,
        %get3A_190 = arith.constant 2 : i32
        %get3A_191 = arith.index_cast %get3A_190 : i32 to index
        %get3A_192 = arith.index_cast %scan3A_48 : i32 to index
        %get3A_193 = arith.constant 16 : index
        %get3A_194 = tpu.vector_load %arg4[%get3A_191, %get3A_192, %get3A_193] {strides = array<i32>} : memref<4x72x128xf32, #tpu.memory_space<vmem>>, vector<1x1x16xf32>,
        %get3A_195 = vector.shape_cast %get3A_194 : vector<1x1x16xf32> to vector<16xf32>
        %swap3A_196 = arith.constant 2 : i32
        %swap3A_197 = arith.index_cast %swap3A_196 : i32 to index
        %swap3A_198 = arith.index_cast %scan3A_48 : i32 to index
        %swap3A_199 = arith.constant 16 : index
        %swap3A_200 = tpu.vector_load %arg5[%swap3A_197, %swap3A_198, %swap3A_199] {strides = array<i32>} : memref<4x65x65xf32, #tpu.memory_space<vmem>>, vector<1x1x16xf32>,
        %swap3A_201 = vector.shape_cast %swap3A_200 : vector<1x1x16xf32> to vector<16xf32>
        %swap3A_202 = vector.shape_cast %get3A_195 : vector<16xf32> to vector<1x1x16xf32>
        tpu.vector_store %arg5[%swap3A_197, %swap3A_198, %swap3A_199], %swap3A_202 {strides = array<i32>} : memref<4x65x65xf32, #tpu.memory_space<vmem>>, vector<1x1x16xf32>,
        %get3A_203 = arith.constant 2 : i32
        %get3A_204 = arith.index_cast %get3A_203 : i32 to index
        %get3A_205 = arith.index_cast %scan3A_48 : i32 to index
        %get3A_206 = arith.constant 32 : index
        %get3A_207 = tpu.vector_load %arg4[%get3A_204, %get3A_205, %get3A_206] {strides = array<i32>} : memref<4x72x128xf32, #tpu.memory_space<vmem>>, vector<1x1x16xf32>,
        %get3A_208 = vector.shape_cast %get3A_207 : vector<1x1x16xf32> to vector<16xf32>
        %swap3A_209 = arith.constant 2 : i32
        %swap3A_210 = arith.index_cast %swap3A_209 : i32 to index
        %swap3A_211 = arith.index_cast %scan3A_48 : i32 to index
        %swap3A_212 = arith.constant 32 : index
        %swap3A_213 = tpu.vector_load %arg5[%swap3A_210, %swap3A_211, %swap3A_212] {strides = array<i32>} : memref<4x65x65xf32, #tpu.memory_space<vmem>>, vector<1x1x16xf32>,
        %swap3A_214 = vector.shape_cast %swap3A_213 : vector<1x1x16xf32> to vector<16xf32>
        %swap3A_215 = vector.shape_cast %get3A_208 : vector<16xf32> to vector<1x1x16xf32>
        tpu.vector_store %arg5[%swap3A_210, %swap3A_211, %swap3A_212], %swap3A_215 {strides = array<i32>} : memref<4x65x65xf32, #tpu.memory_space<vmem>>, vector<1x1x16xf32>,
        %get3A_216 = arith.constant 2 : i32
        %get3A_217 = arith.index_cast %get3A_216 : i32 to index
        %get3A_218 = arith.index_cast %scan3A_48 : i32 to index
        %get3A_219 = arith.constant 48 : index
        %get3A_220 = tpu.vector_load %arg4[%get3A_217, %get3A_218, %get3A_219] {strides = array<i32>} : memref<4x72x128xf32, #tpu.memory_space<vmem>>, vector<1x1x16xf32>,
        %get3A_221 = vector.shape_cast %get3A_220 : vector<1x1x16xf32> to vector<16xf32>
        %swap3A_222 = arith.constant 2 : i32
        %swap3A_223 = arith.index_cast %swap3A_222 : i32 to index
        %swap3A_224 = arith.index_cast %scan3A_48 : i32 to index
        %swap3A_225 = arith.constant 48 : index
        %swap3A_226 = tpu.vector_load %arg5[%swap3A_223, %swap3A_224, %swap3A_225] {strides = array<i32>} : memref<4x65x65xf32, #tpu.memory_space<vmem>>, vector<1x1x16xf32>,
        %swap3A_227 = vector.shape_cast %swap3A_226 : vector<1x1x16xf32> to vector<16xf32>
        %swap3A_228 = vector.shape_cast %get3A_221 : vector<16xf32> to vector<1x1x16xf32>
        tpu.vector_store %arg5[%swap3A_223, %swap3A_224, %swap3A_225], %swap3A_228 {strides = array<i32>} : memref<4x65x65xf32, #tpu.memory_space<vmem>>, vector<1x1x16xf32>,
        %get3A_229 = arith.constant 2 : i32
        %get3A_230 = arith.index_cast %get3A_229 : i32 to index
        %get3A_231 = arith.index_cast %scan3A_48 : i32 to index
        %get3A_232 = arith.constant 49 : index
        %get3A_233 = tpu.vector_load %arg4[%get3A_230, %get3A_231, %get3A_232] {strides = array<i32>} : memref<4x72x128xf32, #tpu.memory_space<vmem>>, vector<1x1x16xf32>,
        %get3A_234 = vector.shape_cast %get3A_233 : vector<1x1x16xf32> to vector<16xf32>
        %swap3A_235 = arith.constant 2 : i32
        %swap3A_236 = arith.index_cast %swap3A_235 : i32 to index
        %swap3A_237 = arith.index_cast %scan3A_48 : i32 to index
        %swap3A_238 = arith.constant 49 : index
        %swap3A_239 = tpu.vector_load %arg5[%swap3A_236, %swap3A_237, %swap3A_238] {strides = array<i32>} : memref<4x65x65xf32, #tpu.memory_space<vmem>>, vector<1x1x16xf32>,
        %swap3A_240 = vector.shape_cast %swap3A_239 : vector<1x1x16xf32> to vector<16xf32>
        %swap3A_241 = vector.shape_cast %get3A_234 : vector<16xf32> to vector<1x1x16xf32>
        tpu.vector_store %arg5[%swap3A_236, %swap3A_237, %swap3A_238], %swap3A_241 {strides = array<i32>} : memref<4x65x65xf32, #tpu.memory_space<vmem>>, vector<1x1x16xf32>,
        %get3A_242 = arith.constant 3 : i32
        %get3A_243 = arith.index_cast %get3A_242 : i32 to index
        %get3A_244 = arith.index_cast %scan3A_48 : i32 to index
        %get3A_245 = arith.constant 0 : index
        %get3A_246 = tpu.vector_load %arg4[%get3A_243, %get3A_244, %get3A_245] {strides = array<i32>} : memref<4x72x128xf32, #tpu.memory_space<vmem>>, vector<1x1x16xf32>,
        %get3A_247 = vector.shape_cast %get3A_246 : vector<1x1x16xf32> to vector<16xf32>
        %swap3A_248 = arith.constant 3 : i32
        %swap3A_249 = arith.index_cast %swap3A_248 : i32 to index
        %swap3A_250 = arith.index_cast %scan3A_48 : i32 to index
        %swap3A_251 = arith.constant 0 : index
        %swap3A_252 = tpu.vector_load %arg5[%swap3A_249, %swap3A_250, %swap3A_251] {strides = array<i32>} : memref<4x65x65xf32, #tpu.memory_space<vmem>>, vector<1x1x16xf32>,
        %swap3A_253 = vector.shape_cast %swap3A_252 : vector<1x1x16xf32> to vector<16xf32>
        %swap3A_254 = vector.shape_cast %get3A_247 : vector<16xf32> to vector<1x1x16xf32>
        tpu.vector_store %arg5[%swap3A_249, %swap3A_250, %swap3A_251], %swap3A_254 {strides = array<i32>} : memref<4x65x65xf32, #tpu.memory_space<vmem>>, vector<1x1x16xf32>,
        %get3A_255 = arith.constant 3 : i32
        %get3A_256 = arith.index_cast %get3A_255 : i32 to index
        %get3A_257 = arith.index_cast %scan3A_48 : i32 to index
        %get3A_258 = arith.constant 16 : index
        %get3A_259 = tpu.vector_load %arg4[%get3A_256, %get3A_257, %get3A_258] {strides = array<i32>} : memref<4x72x128xf32, #tpu.memory_space<vmem>>, vector<1x1x16xf32>,
        %get3A_260 = vector.shape_cast %get3A_259 : vector<1x1x16xf32> to vector<16xf32>
        %swap3A_261 = arith.constant 3 : i32
        %swap3A_262 = arith.index_cast %swap3A_261 : i32 to index
        %swap3A_263 = arith.index_cast %scan3A_48 : i32 to index
        %swap3A_264 = arith.constant 16 : index
        %swap3A_265 = tpu.vector_load %arg5[%swap3A_262, %swap3A_263, %swap3A_264] {strides = array<i32>} : memref<4x65x65xf32, #tpu.memory_space<vmem>>, vector<1x1x16xf32>,
        %swap3A_266 = vector.shape_cast %swap3A_265 : vector<1x1x16xf32> to vector<16xf32>
        %swap3A_267 = vector.shape_cast %get3A_260 : vector<16xf32> to vector<1x1x16xf32>
        tpu.vector_store %arg5[%swap3A_262, %swap3A_263, %swap3A_264], %swap3A_267 {strides = array<i32>} : memref<4x65x65xf32, #tpu.memory_space<vmem>>, vector<1x1x16xf32>,
        %get3A_268 = arith.constant 3 : i32
        %get3A_269 = arith.index_cast %get3A_268 : i32 to index
        %get3A_270 = arith.index_cast %scan3A_48 : i32 to index
        %get3A_271 = arith.constant 32 : index
        %get3A_272 = tpu.vector_load %arg4[%get3A_269, %get3A_270, %get3A_271] {strides = array<i32>} : memref<4x72x128xf32, #tpu.memory_space<vmem>>, vector<1x1x16xf32>,
        %get3A_273 = vector.shape_cast %get3A_272 : vector<1x1x16xf32> to vector<16xf32>
        %swap3A_274 = arith.constant 3 : i32
        %swap3A_275 = arith.index_cast %swap3A_274 : i32 to index
        %swap3A_276 = arith.index_cast %scan3A_48 : i32 to index
        %swap3A_277 = arith.constant 32 : index
        %swap3A_278 = tpu.vector_load %arg5[%swap3A_275, %swap3A_276, %swap3A_277] {strides = array<i32>} : memref<4x65x65xf32, #tpu.memory_space<vmem>>, vector<1x1x16xf32>,
        %swap3A_279 = vector.shape_cast %swap3A_278 : vector<1x1x16xf32> to vector<16xf32>
        %swap3A_280 = vector.shape_cast %get3A_273 : vector<16xf32> to vector<1x1x16xf32>
        tpu.vector_store %arg5[%swap3A_275, %swap3A_276, %swap3A_277], %swap3A_280 {strides = array<i32>} : memref<4x65x65xf32, #tpu.memory_space<vmem>>, vector<1x1x16xf32>,
        %get3A_281 = arith.constant 3 : i32
        %get3A_282 = arith.index_cast %get3A_281 : i32 to index
        %get3A_283 = arith.index_cast %scan3A_48 : i32 to index
        %get3A_284 = arith.constant 48 : index
        %get3A_285 = tpu.vector_load %arg4[%get3A_282, %get3A_283, %get3A_284] {strides = array<i32>} : memref<4x72x128xf32, #tpu.memory_space<vmem>>, vector<1x1x16xf32>,
        %get3A_286 = vector.shape_cast %get3A_285 : vector<1x1x16xf32> to vector<16xf32>
        %swap3A_287 = arith.constant 3 : i32
        %swap3A_288 = arith.index_cast %swap3A_287 : i32 to index
        %swap3A_289 = arith.index_cast %scan3A_48 : i32 to index
        %swap3A_290 = arith.constant 48 : index
        %swap3A_291 = tpu.vector_load %arg5[%swap3A_288, %swap3A_289, %swap3A_290] {strides = array<i32>} : memref<4x65x65xf32, #tpu.memory_space<vmem>>, vector<1x1x16xf32>,
        %swap3A_292 = vector.shape_cast %swap3A_291 : vector<1x1x16xf32> to vector<16xf32>
        %swap3A_293 = vector.shape_cast %get3A_286 : vector<16xf32> to vector<1x1x16xf32>
        tpu.vector_store %arg5[%swap3A_288, %swap3A_289, %swap3A_290], %swap3A_293 {strides = array<i32>} : memref<4x65x65xf32, #tpu.memory_space<vmem>>, vector<1x1x16xf32>,
        %get3A_294 = arith.constant 3 : i32
        %get3A_295 = arith.index_cast %get3A_294 : i32 to index
        %get3A_296 = arith.index_cast %scan3A_48 : i32 to index
        %get3A_297 = arith.constant 49 : index
        %get3A_298 = tpu.vector_load %arg4[%get3A_295, %get3A_296, %get3A_297] {strides = array<i32>} : memref<4x72x128xf32, #tpu.memory_space<vmem>>, vector<1x1x16xf32>,
        %get3A_299 = vector.shape_cast %get3A_298 : vector<1x1x16xf32> to vector<16xf32>
        %swap3A_300 = arith.constant 3 : i32
        %swap3A_301 = arith.index_cast %swap3A_300 : i32 to index
        %swap3A_302 = arith.index_cast %scan3A_48 : i32 to index
        %swap3A_303 = arith.constant 49 : index
        %swap3A_304 = tpu.vector_load %arg5[%swap3A_301, %swap3A_302, %swap3A_303] {strides = array<i32>} : memref<4x65x65xf32, #tpu.memory_space<vmem>>, vector<1x1x16xf32>,
        %swap3A_305 = vector.shape_cast %swap3A_304 : vector<1x1x16xf32> to vector<16xf32>
        %swap3A_306 = vector.shape_cast %get3A_299 : vector<16xf32> to vector<1x1x16xf32>
        tpu.vector_store %arg5[%swap3A_301, %swap3A_302, %swap3A_303], %swap3A_306 {strides = array<i32>} : memref<4x65x65xf32, #tpu.memory_space<vmem>>, vector<1x1x16xf32>,
      }
      %scan3A_47 = arith.constant 65 : i32
      "tpu.region"() ({
        %run_scoped3A = tpu.sem_alloc : memref<!tpu.dma_semaphore, #tpu.memory_space<semaphore_mem>>
        %dma_start3A = arith.constant 0 : i32
        %dma_start3A_48 = arith.constant 0 : i32
        %dma_start3A_49 = tpu.memref_slice %arg3[%select_n3A, %add3A_41, %dma_start3A, %dma_start3A_48] : memref<16x32x65x65xf32, #tpu.memory_space<hbm>> -> memref<1x4x65x65xf32, #tpu.memory_space<hbm>>
        %dma_start3A_50 = tpu.memref_squeeze %dma_start3A_49 : memref<1x4x65x65xf32, #tpu.memory_space<hbm>> -> memref<4x65x65xf32, #tpu.memory_space<hbm>>
        %dma_start3A_51 = arith.constant 0 : i32
        %dma_start3A_52 = arith.constant 0 : i32
        %dma_start3A_53 = tpu.memref_slice %arg3[%select_n3A, %add3A_41, %dma_start3A_51, %dma_start3A_52] : memref<16x32x65x65xf32, #tpu.memory_space<hbm>> -> memref<1x4x65x65xf32, #tpu.memory_space<hbm>>
        %dma_start3A_54 = tpu.memref_squeeze %dma_start3A_53 : memref<1x4x65x65xf32, #tpu.memory_space<hbm>> -> memref<4x65x65xf32, #tpu.memory_space<hbm>>
        tpu.enqueue_dma source(%arg5 : memref<4x65x65xf32, #tpu.memory_space<vmem>>) target(%dma_start3A_54 : memref<4x65x65xf32, #tpu.memory_space<hbm>>) target_semaphore(%run_scoped3A : memref<!tpu.dma_semaphore, #tpu.memory_space<semaphore_mem>>)
        %dma_wait3A = arith.constant 0 : i32
        %dma_wait3A_55 = arith.constant 0 : i32
        %dma_wait3A_56 = tpu.memref_slice %arg3[%select_n3A, %add3A_41, %dma_wait3A, %dma_wait3A_55] : memref<16x32x65x65xf32, #tpu.memory_space<hbm>> -> memref<1x4x65x65xf32, #tpu.memory_space<hbm>>
        %dma_wait3A_57 = tpu.memref_squeeze %dma_wait3A_56 : memref<1x4x65x65xf32, #tpu.memory_space<hbm>> -> memref<4x65x65xf32, #tpu.memory_space<hbm>>
        %dma_wait3A_58 = arith.constant 0 : i32
        %dma_wait3A_59 = arith.constant 0 : i32
        %dma_wait3A_60 = tpu.memref_slice %arg3[%select_n3A, %add3A_41, %dma_wait3A_58, %dma_wait3A_59] : memref<16x32x65x65xf32, #tpu.memory_space<hbm>> -> memref<1x4x65x65xf32, #tpu.memory_space<hbm>>
        %dma_wait3A_61 = tpu.memref_squeeze %dma_wait3A_60 : memref<1x4x65x65xf32, #tpu.memory_space<hbm>> -> memref<4x65x65xf32, #tpu.memory_space<hbm>>
        tpu.wait_dma2 semaphore(%run_scoped3A : memref<!tpu.dma_semaphore, #tpu.memory_space<semaphore_mem>>) src(%arg5 : memref<4x65x65xf32, #tpu.memory_space<vmem>>) dst(%dma_wait3A_61 : memref<4x65x65xf32, #tpu.memory_space<hbm>>)
        tpu.yield
      }) : () -> ()
    }
    %scan3A_37 = arith.constant 4 : i32
    return
  }
}

module attributes {stable_mosaic.version = 14 : i64} {
  func.func @_mask_kernel(%arg0: i32, %arg1: i32, %arg2: memref<4x32x2048xf32, #tpu.memory_space<vmem>>, %arg3: memref<4x32x2048xi32, #tpu.memory_space<vmem>>) attributes {dimension_semantics = [#tpu.dimension_semantics<arbitrary>, #tpu.dimension_semantics<arbitrary>], iteration_bounds = array<i64: 4, 1>, scalar_prefetch = 0 : i64, scratch_operands = 0 : i64, tpu.core_type = #tpu.core_type<tc>, window_params = [{transform_indices = @transform_0, window_bounds = array<i64: 4, 32, 2048>}, {transform_indices = @transform_1, window_bounds = array<i64: 4, 32, 2048>}]} {
    %get3A = arith.constant 0 : index
    %get3A_0 = arith.constant 0 : index
    %get3A_1 = arith.constant 0 : index
    %get3A_2 = vector.load %arg2[%get3A, %get3A_0, %get3A_1] : memref<4x32x2048xf32, #tpu.memory_space<vmem>>, vector<4x32x2048xf32>
    %ne3A = arith.constant 0.000000e+00 : f32
    %ne3A_3 = vector.broadcast %ne3A : f32 to vector<4x32x2048xf32>
    %ne3A_4 = arith.cmpf one, %get3A_2, %ne3A_3 : vector<4x32x2048xf32>
    %iota3A = tpu.iota {dimensions = array<i32: 2>} : vector<4x32x2048xi32>
    %jit3A = arith.constant 2048 : i32
    %broadcast_in_dim3A = vector.broadcast %jit3A : i32 to vector<4x32x2048xi32>
    %select_n3A = arith.select %ne3A_4, %iota3A, %broadcast_in_dim3A : vector<4x32x2048xi1>, vector<4x32x2048xi32>
    %reduce_min3A = arith.constant dense<2147483647> : vector<4x32xi32>
    %reduce_min3A_5 = vector.multi_reduction <minsi>, %select_n3A, %reduce_min3A [2] : vector<4x32x2048xi32> to vector<4x32xi32>
    %broadcast_in_dim3A_6 = vector.shape_cast %reduce_min3A_5 : vector<4x32xi32> to vector<4x32x1xi32>
    %jit3A_7 = arith.constant -1 : i32
    %broadcast_in_dim3A_8 = vector.broadcast %jit3A_7 : i32 to vector<4x32x2048xi32>
    %select_n3A_9 = arith.select %ne3A_4, %iota3A, %broadcast_in_dim3A_8 : vector<4x32x2048xi1>, vector<4x32x2048xi32>
    %reduce_max3A = arith.constant dense<-2147483648> : vector<4x32xi32>
    %reduce_max3A_10 = vector.multi_reduction <maxsi>, %select_n3A_9, %reduce_max3A [2] : vector<4x32x2048xi32> to vector<4x32xi32>
    %broadcast_in_dim3A_11 = vector.shape_cast %reduce_max3A_10 : vector<4x32xi32> to vector<4x32x1xi32>
    %ge3A = vector.broadcast %broadcast_in_dim3A_6 : vector<4x32x1xi32> to vector<4x32x2048xi32>
    %ge3A_12 = arith.cmpi sge, %iota3A, %ge3A : vector<4x32x2048xi32>
    %le3A = vector.broadcast %broadcast_in_dim3A_11 : vector<4x32x1xi32> to vector<4x32x2048xi32>
    %le3A_13 = arith.cmpi sle, %iota3A, %le3A : vector<4x32x2048xi32>
    %and3A = arith.andi %ge3A_12, %le3A_13 : vector<4x32x2048xi1>
    %swap3A = arith.constant 0 : index
    %swap3A_14 = arith.constant 0 : index
    %swap3A_15 = arith.constant 0 : index
    %swap3A_16 = vector.load %arg3[%swap3A, %swap3A_14, %swap3A_15] : memref<4x32x2048xi32, #tpu.memory_space<vmem>>, vector<4x32x2048xi32>
    %swap3A_17 = arith.extui %and3A : vector<4x32x2048xi1> to vector<4x32x2048xi32>
    %swap3A_18 = arith.constant dense<0> : vector<4x32x2048xi32>
    %swap3A_19 = arith.cmpi ne, %swap3A_16, %swap3A_18 : vector<4x32x2048xi32>
    tpu.vector_store %arg3[%swap3A, %swap3A_14, %swap3A_15], %swap3A_17 {strides = array<i32>} : memref<4x32x2048xi32, #tpu.memory_space<vmem>>, vector<4x32x2048xi32>,
    return
  }
  func.func @transform_0(%arg0: i32, %arg1: i32) -> (i32, i32, i32) {
    %c0_i32 = arith.constant 0 : i32
    %c0_i32_0 = arith.constant 0 : i32
    return %arg0, %arg1, %c0_i32 : i32, i32, i32
  }
  func.func @transform_1(%arg0: i32, %arg1: i32) -> (i32, i32, i32) {
    %c0_i32 = arith.constant 0 : i32
    %c0_i32_0 = arith.constant 0 : i32
    return %arg0, %arg1, %c0_i32 : i32, i32, i32
  }
}

</mosaic_0001>

<sc_bundles>
// kernel: kernel.4.cloned.1.call-start
scs
__scs_entry_jumppad:
0x0: {  	(pc) =	sbr.rel $0x88, $3  }
0x1: {  	(tag) =	ssettag $0x0;
	lr =	simm.s32 $0x1  }
0x2: {  	[smem:$0x3F9F] =	sst lr;
	_ =	strace $0xD0000000  }
0x3: {  	_ = 	snop  }
0x4: {  	_ = 	snop  }
0x5: {  	_ = 	snop  }
0x6: {  	_ = 	snop  }
0x7: {  	_ = 	snop  }
__scs_overlays_trampoline_lowered:
0x8: {  	[smem:$0x3FAE] =	sst s0  }
0x9: {  	[smem:$0x3FAF] =	sst s1  }
0xa: {  	[smem:$0x3FB0] =	sst s2  }
0xb: {  	[smem:$0x3FB1] =	sst s3  }
0xc: {  	[smem:$0x3FB2] =	sst s4  }
0xd: {  	[smem:$0x3FB3] =	sst s5  }
0xe: {  	[smem:$0x3FB4] =	sst s6  }
0xf: {  	[smem:$0x3FB5] =	sst s7  }
0x10: {  	[smem:$0x3FB6] =	sst s8  }
0x11: {  	[smem:$0x3FB7] =	sst s9;
	s0 =	simm.s32 @!p0 $0x0  }
0x12: {  	s1 =	sld [smem:$0x3F9D];
	s0 =	simm.s32 @p0 $0x1  }
0x13: {  	[smem:$0x3FB8] =	sst s0;
	s0 =	simm.s32 @!p1 $0x0  }
0x14: {  	s2 =	sld [smem:$0x3F9C];
	s0 =	simm.s32 @p1 $0x1  }
0x15: {  	[smem:$0x3FB9] =	sst s0;
	s0 =	simm.s32 @!p2 $0x0  }
0x16: {  	s3 =	sld [smem:$0x3FDB];
	s0 =	simm.s32 @p2 $0x1  }
0x17: {  	s4 =	simm.s32 $0x1BF5;
	[smem:$0x3FBB] =	sst s0  }
0x18: {  	s0 =	sld [smem:$0x3F9E];
	_ =	swait.ge [sflag:s4], $0x0  }
0x19: {  	s7 =	sld [smem:$0x3F9F]  }
0x1a: {  	s8 =	sadd.s32 $0xFFFFE003, lr  }
0x1b: {  	s9 =	sadd.s32 $0xFFFFFEF7, lr;
	s5 =	simm.s32 $0xFFFFFFFF;
	p2 =	slt.u32 s8, $0xFFFFF086  }
0x1c: {  	p1 =	slt.u32 s9, $0xF7A;
	s5 =	simm.s32 @!p2 $0x0  }
0x1d: {  	s5 =	simm.s32 @p1 $0x1;
	p0 =	seq.s32 s7, s2  }
0x1e: {  	s7 =	smul.u32 @!p0 $0xF7A, s2;
	p2 =	seq.s32 @!p0 s5, $0x0  }
0x1f: {  	s9 =	smul.u32 $0xF7A, s1;
	s8 =	simm.s32 @!p0 $0x1BF5;
	p2 =	por !p2, p0  }
0x20: {  	[sflag:s8] =	ssyncset.s32 @!p0 $0xFFFFF086;
	s6 =	sadd.s32 @!p0 s3, s7;
	s7 =	simm.s32 @!p0 $0x108  }
0x21: {  	s3 =	sadd.s32 s3, s9;
	s6 =	sadd.s32 @!p0 $0x88, s6;
	s7 =	simm.s32 @p2 $0x1082  }
0x22: {  	[simem:s7], [sflag:s8] =	dma.local @!p0 [hbm:s6], $0xF7A  }
0x23: {  	s9 =	sor.u32 $0xD0000000, s2;
	s6 =	simm.s32 $0x108;
	_ =	swait.ge @!p0 [sflag:s8], $0x0  }
0x24: {  	s3 =	sadd.s32 $0x88, s3;
	s6 =	simm.s32 @!p1 $0x1082;
	[sflag:s4] =	ssyncset.s32 $0xFFFFF086  }
0x25: {  	[simem:s6], [sflag:s4] =	dma.local [hbm:s3], $0xF7A  }
0x26: {  	[smem:$0x3F9F] =	sst s1;
	(tag) =	ssettag s2;
	_ =	strace s9  }
0x27: {  	s1 =	sld [smem:$0x3FAF]  }
0x28: {  	s2 =	sld [smem:$0x3FB0]  }
0x29: {  	s4 =	sld [smem:$0x3FB2]  }
0x2a: {  	p0 =	seq.s32 s5, $0x0;
	s5 =	sld [smem:$0x3FB3]  }
0x2b: {  	s6 =	sld [smem:$0x3FB4]  }
0x2c: {  	s7 =	sld [smem:$0x3FB5]  }
0x2d: {  	s3 =	simm.s32 $0x108;
	s8 =	sld [smem:$0x3FB6]  }
0x2e: {  	s3 =	simm.s32 @!p0 $0x1082;
	s9 =	sld [smem:$0x3FB7]  }
0x2f: {  	lr =	sadd.s32 s0, s3;
	s0 =	sld [smem:$0x3FAE]  }
0x30: {  	s3 =	sld [smem:$0x3FB1]  }
0x31: {  	[smem:$0x3FBA] =	sst s10  }
0x32: {  	s10 =	sld [smem:$0x3FB8];
	_ =	sdelay $0x3  }
0x33: {  	p0 =	seq.s32 s10, $0x1;
	s10 =	sld [smem:$0x3FBA];
	_ =	sdelay $0x3  }
0x34: {  	[smem:$0x3FBA] =	sst s10  }
0x35: {  	s10 =	sld [smem:$0x3FB9];
	_ =	sdelay $0x3  }
0x36: {  	p1 =	seq.s32 s10, $0x1;
	s10 =	sld [smem:$0x3FBA];
	_ =	sdelay $0x3  }
0x37: {  	[smem:$0x3FBA] =	sst s10  }
0x38: {  	s10 =	sld [smem:$0x3FBB]  }
0x39: {  	_ = 	snop;
	(pc) =	sbr.ind lr, $3  }
0x3a: {  	_ = 	snop  }
0x3b: {  	_ = 	snop  }
0x3c: {  	p2 =	seq.s32 s10, $0x1;
	s10 =	sld [smem:$0x3FBA]  }
0x3d: {  	_ =	shalt  }
0x3e: {  	_ =	shalt  }
0x3f: {  	_ =	shalt  }
0x40: {  	_ =	shalt  }
0x41: {  	_ =	shalt  }
0x42: {  	_ =	shalt  }
0x43: {  	_ =	shalt  }
0x44: {  	_ =	shalt  }
0x45: {  	_ =	shalt  }
0x46: {  	_ =	shalt  }
0x47: {  	_ =	shalt  }
0x48: {  	_ =	shalt  }
0x49: {  	_ =	shalt  }
0x4a: {  	_ =	shalt  }
0x4b: {  	_ =	shalt  }
0x4c: {  	_ =	shalt  }
0x4d: {  	_ =	shalt  }
0x4e: {  	_ =	shalt  }
0x4f: {  	_ =	shalt  }
0x50: {  	_ =	shalt  }
0x51: {  	_ =	shalt  }
0x52: {  	_ =	shalt  }
0x53: {  	_ =	shalt  }
0x54: {  	_ =	shalt  }
0x55: {  	_ =	shalt  }
0x56: {  	_ =	shalt  }
0x57: {  	_ =	shalt  }
0x58: {  	_ =	shalt  }
0x59: {  	_ =	shalt  }
0x5a: {  	_ =	shalt  }
0x5b: {  	_ =	shalt  }
0x5c: {  	_ =	shalt  }
0x5d: {  	_ =	shalt  }
0x5e: {  	_ =	shalt  }
0x5f: {  	_ =	shalt  }
0x60: {  	_ =	shalt  }
0x61: {  	_ =	shalt  }
0x62: {  	_ =	shalt  }
0x63: {  	_ =	shalt  }
0x64: {  	_ =	shalt  }
0x65: {  	_ =	shalt  }
0x66: {  	_ =	shalt  }
0x67: {  	_ =	shalt  }
0x68: {  	_ =	shalt  }
0x69: {  	_ =	shalt  }
0x6a: {  	_ =	shalt  }
0x6b: {  	_ =	shalt  }
0x6c: {  	_ =	shalt  }
0x6d: {  	_ =	shalt  }
0x6e: {  	_ =	shalt  }
0x6f: {  	_ =	shalt  }
0x70: {  	_ =	shalt  }
0x71: {  	_ =	shalt  }
0x72: {  	_ =	shalt  }
0x73: {  	_ =	shalt  }
0x74: {  	_ =	shalt  }
0x75: {  	_ =	shalt  }
0x76: {  	_ =	shalt  }
0x77: {  	_ =	shalt  }
0x78: {  	_ =	shalt  }
0x79: {  	_ =	shalt  }
0x7a: {  	_ =	shalt  }
0x7b: {  	_ =	shalt  }
0x7c: {  	_ =	shalt  }
0x7d: {  	_ =	shalt  }
0x7e: {  	_ =	shalt  }
0x7f: {  	_ =	shalt  }
0x80: {  	_ =	shalt  }
0x81: {  	_ =	shalt  }
0x82: {  	_ =	shalt  }
0x83: {  	_ =	shalt  }
0x84: {  	_ =	shalt  }
0x85: {  	_ =	shalt  }
0x86: {  	_ =	shalt  }
0x87: {  	_ =	shalt  }
.Lfunc_end0:
.L_simem_size_0:
called_computation_lowered:
.L_overlay_start_0:
0x88: {  	s2 =	sld [smem:$0x3FD9]  }
0x89: {  	s3 =	sld [smem:$0x3FFE];
	_ =	sdelay $0x1  }
0x8a: {  	s1 =	srdreg.scid  }
0x8b: {  	s0 =	sand.u32 $0x1, s1  }
0x8c: {  	s17 =	sshll.u32 s0, $0xA;
	s2 =	sadd.s32 s3, s2  }
0x8d: {  	s2 =	sadd.s32 s2, s17  }
0x8e: {  	[smem:$0x3FC6] =	sst s2  }
0x8f: {  	_ = 	snop  }
0x90: {  	s2 =	sld [smem:$0x3FC8];
	(tm) =	ssettm $0x1  }
0x91: {  	s18 =	sld [smem:$0x3FFB];
	_ =	sdelay $0x3  }
0x92: {  	_ =	strace s18  }
0x93: {  	s3 =	sld [smem:$0x3FFC];
	_ =	sdelay $0x3  }
0x94: {  	_ =	strace s3  }
0x95: {  	s3 =	sld [smem:$0x3FFD];
	_ =	sdelay $0x3  }
0x96: {  	_ =	strace s3  }
0x97: {  	_ =	strace $0x8FFFFFFF  }
0x98: {  	s19 =	sld [smem:$0x3FDB];
	_ =	sdelay $0x1  }
0x99: {  	s4 =	simm.s32 $_scs_section_size  }
0x9a: {  	s5 =	simm.s32 $_size__tile_overlayer_lowered;
	s6 =	simm.s32 $_tile_overlayer_lowered  }
0x9b: {  	s22 =	simm.s32 $0x1BFF;
	s21 =	sshll.u32 s6, $0x1;
	s3 =	sadd.s32 s4, s19  }
0x9c: {  	s7 =	simm.s32 $0x0;
	s20 =	sshll.u32 s5, $0x1;
	s5 =	sadd.s32 s21, s3  }
0x9d: {  	[timem:s7], [sflag:s22] =	dma.local [hbm:s5], s20  }
0x9e: {  	_ =	swait.ge [sflag:s22], s20  }
0x9f: {  	s4 =	ssub.s32 $0x0, s20;
	[sflag:s22] =	ssyncset.done $0x0  }
0xa0: {  	[sflag:s22] =	ssyncadd.s32 s4;
	_ =	sdelay $0x1  }
0xa1: {  	s23 =	simm.s32 $0x1B8B  }
0xa2: {  	_ =	swait.ge [sflag:s23], $0x1  }
0xa3: {  	[sflag:s23] =	ssyncset.done $0x0  }
0xa4: {  	s25 =	simm.s32 $0x1B8E;
	s24 =	sld [smem:$0x3FFE];
	[sflag:s23] =	ssyncadd.s32 $0xFFFFFFFF  }
0xa5: {  	s26 =	simm.s32 $execute0_lowered;
	[smem:$0x3FD2] =	sst s25  }
0xa6: {  	s5 =	sshll.u32 s26, $0x1;
	_ =	strace $0x80000046;
	[dreg:$0x1] =	wrdreg $0xFFFFFFFF  }
0xa7: {  	s28 =	simm.s32 $_size_execute0_lowered;
	s3 =	sadd.s32 s3, s5;
	[dreg:$0x0] =	wrdreg $0x0  }
0xa8: {  	s5 =	sshll.u32 s28, $0x1;
	[dreg:$0x2] =	wrdreg s3  }
0xa9: {  	[dreg:$0x3] =	wrdreg s5  }
0xaa: {  	[dreg:$0x4] =	wrdreg $0xC0  }
0xab: {  	_ =	task [dreg:s7], $0x5FFFF  }
0xac: {  	[dreg:$0x1] =	wrdreg $0xFFFFFFFF  }
0xad: {  	[dreg:$0x0] =	wrdreg $0x60  }
0xae: {  	[dreg:$0x2] =	wrdreg s2  }
0xaf: {  	[dreg:$0x3] =	wrdreg s24  }
0xb0: {  	[dreg:$0x4] =	wrdreg $0x9  }
0xb1: {  	_ =	task.clear_ibuf [dreg:s7], $0x5FFFF;
	_ =	strace $0x90000046  }
0xb2: {  	s29 =	simm.s32 $0x9;
	_ =	strace $0x80000048  }
0xb3: {  	_ =	swait.ge [sflag:s29], $0x1  }
0xb4: {  	[sflag:s29] =	ssyncadd.s32 $0xFFFFFFFF  }
0xb5: {  	_ =	strace $0x90000048  }
0xb6: {  	_ =	sfence  }
0xb7: {  	s30 =	sld [smem:$0x0];
	_ =	sdelay $0x2  }
0xb8: {  	s31 =	sshll.u32 s1, $0xD;
	s1 =	sshrl.u32 s1, $0x2  }
0xb9: {  	s3 =	sand.u32 $0x4000, s31;
	s1 =	sadd.s32 s1, s30  }
0xba: {  	s0 =	sor.u32 s3, s0;
	s1 =	sshll.u32 s1, $0x11  }
0xbb: {  	s0 =	sor.u32 s1, s0  }
0xbc: {  	s0 =	sadd.s32 $0x8F2B, s0  }
0xbd: {  	[sflag:s0] =	ssyncadd.remote.s32 $0x1  }
0xbe: {  	_ =	sfence.sel $0xFFFF  }
0xbf: {  	[dreg:$0x0] =	wrdreg $0xFFFFFFFF;
	(pc) =	sbr.abs _section_cstart, $3  }
0xc0: {  	[dreg:$0x1] =	wrdreg $0xFFFFFFFF  }
0xc1: {  	_ =	task.clear_ibuf [dreg:s7], $0x2FFFF;
	_ =	strace $0x9FFFFFFF  }
0xc2: {  	(tm) =	ssettm $0x7FFFFFFF  }
0xc3: {  	_ =	shalt  }
tec
execute0_lowered:
.L_overlay_start_1:
0x0: {  	(tag) =	ssettag $0x1  }
0x1: {  	s2 =	rddreg [dreg:$0x0]  }
0x2: {  	s0 =	srdreg.scid;
	s4 =	rddreg [dreg:$0x1]  }
0x3: {  	s1 =	stileid.u32;
	s3 =	simm.s32 $0x0;
	s7 =	simm.s32 $0x1  }
0x4: {  	s10 =	simm.s32 $0x2400;
	s11 =	simm.s32 $0x4000;
	s12 =	simm.s32 $0x9000  }
0x5: {  	s13 =	simm.s32 $0xB400;
	s14 =	simm.s32 $0xD800;
	s6 =	sand.u32 $0x1, s0  }
0x6: {  	s15 =	simm.s32 $0xFC00;
	s16 =	simm.s32 $0x0;
	s5 =	sor.u32 s6, s1  }
0x7: {  	s0 =	rddreg [dreg:$0x2];
	p1 =	seq.s32 s6, $0x1;
	p0 =	seq.s32 s5, $0x0  }
0x8: {  	[smem:$0x7FF] =	sst s3;
	s4 =	sadd.s32 $0x600, s4;
	p0 =	por !p0, !p1  }
0x9: {  	s30 =	ssub.s32 $0x2, s6;
	_ =	strace $0x80000047;
	p0 =	por !p0, !p0  }
0xa: {  	s6 =	sshll.u32 s6, $0x4;
	s8 =	sshrl.u32 s30, $0x1;
	s7 =	simm.s32 @!p0 $0x0  }
0xb: {  	s5 =	simm.s32 $0x1;
	s9 =	ssub.s32 s30, s8;
	s31 =	ssub.s32 s1, s7  }
0xc: {  	s9 =	smax.u32 s9, $0x1;
	s7 =	sshll.u32 s31, $0x13;
	s8 =	smul.u32 $0x48000, s31  }
.LBB2_1:
0xd: {  	s17 =	simm.s32 $0x0  }
.LBB2_2:
0xe: {  	s18 =	sshll.u32 s17, $0x2  }
0xf: {  	s18 =	sadd.s32 s6, s18  }
0x10: {  	s19 =	sshll.u32 s18, $0xE  }
0x11: {  	s19 =	sadd.s32 s7, s19  }
0x12: {  	s19 =	sshrl.u32 s19, $0x3  }
0x13: {  	s20 =	simm.s32 $0x0;
	s19 =	sadd.s32 s2, s19  }
0x14: {  	[tilespmem:s20], [sflag:$0x1] =	stream.strided.gather [hbm4b:s19+s10], $0x9000, s11, s10, $0x38;
	[tilespmem:$0x12000] =	vst v63  }
0x15: {  	_ =	swait.ge [sflag:s5], $0x9000  }
0x16: {  	[sflag:s5] =	ssyncset.done $0x0  }
0x17: {  	s19 =	simm.s32 $0x0;
	[sflag:s5] =	ssyncadd.s32 $0xFFFF7000  }
0x18: {  	v2 =	vld [tilespmem:s19+$0x30]  }
0x19: {  	v3 =	vld [tilespmem:s19+$0x31]  }
0x1a: {  	v4 =	vld [tilespmem:s19+$0x2430]  }
0x1b: {  	v1 =	vld [tilespmem:s19+$0x2431]  }
0x1c: {  	v0 =	vld [tilespmem:s19+$0x4830]  }
0x1d: {  	[tilespmem:s19+$0x9030] =	vst v2;
	v2 =	vld [tilespmem:s19+$0x4831]  }
0x1e: {  	s20 =	simm.s32 $0x200;
	[tilespmem:s19+$0x9031] =	vst v3;
	v3 =	vld [tilespmem:s19+$0x6C30]  }
.LBB2_3:
0x1f: {  	p0 =	sne.s32 s20, $0x8000;
	[tilespmem:s19+$0xB430] =	vst v4;
	v4 =	vld [tilespmem:s19+$0x6C31]  }
0x20: {  	v5 =	vld [tilespmem:s19+$0x0];
	[tilespmem:s19+$0xB431] =	vst v1  }
0x21: {  	v1 =	vld [tilespmem:s19+$0x10];
	[tilespmem:s19+$0xD830] =	vst v0  }
0x22: {  	v0 =	vld [tilespmem:s19+$0x20];
	[tilespmem:s19+$0xD831] =	vst v2  }
0x23: {  	v2 =	vld [tilespmem:s19+$0x2400];
	[tilespmem:s19+$0xFC30] =	vst v3  }
0x24: {  	v3 =	vld [tilespmem:s19+$0x2410];
	[tilespmem:s19+$0xFC31] =	vst v4  }
0x25: {  	[tilespmem:s19+$0x9000] =	vst v5;
	v4 =	vld [tilespmem:s19+$0x2420]  }
0x26: {  	[tilespmem:s19+$0x9010] =	vst v1;
	v1 =	vld [tilespmem:s19+$0x4800]  }
0x27: {  	[tilespmem:s19+$0x9020] =	vst v0;
	v0 =	vld [tilespmem:s19+$0x4810]  }
0x28: {  	[tilespmem:s19+$0xB400] =	vst v2;
	v2 =	vld [tilespmem:s19+$0x4820]  }
0x29: {  	[tilespmem:s19+$0xB410] =	vst v3;
	v3 =	vld [tilespmem:s19+$0x6C00]  }
0x2a: {  	[tilespmem:s19+$0xB420] =	vst v4;
	v5 =	vld [tilespmem:s19+$0x6C10]  }
0x2b: {  	s21 =	sshra.s32 s20, $0x2;
	[tilespmem:s19+$0xD800] =	vst v1;
	v6 =	vld [tilespmem:s19+$0x6C20]  }
0x2c: {  	v7 =	vld [tilespmem:s21+$0x30];
	[tilespmem:s19+$0xD810] =	vst v0  }
0x2d: {  	v8 =	vld [tilespmem:s21+$0x31];
	[tilespmem:s19+$0xD820] =	vst v2  }
.Ltmp0:
0x2e: {  	v4 =	vld [tilespmem:s21+$0x2430];
	[tilespmem:s19+$0xFC00] =	vst v3;
	(pc) =	sbr.rel @p0 .LBB2_3-.Ltmp0, $4  }
0x2f: {  	v1 =	vld [tilespmem:s21+$0x2431];
	[tilespmem:s19+$0xFC10] =	vst v5  }
0x30: {  	v0 =	vld [tilespmem:s21+$0x4830];
	[tilespmem:s19+$0xFC20] =	vst v6;
	s19 =	smov.u32 s21  }
0x31: {  	[tilespmem:s19+$0x9030] =	vst v7;
	v2 =	vld [tilespmem:s19+$0x4831]  }
0x32: {  	s20 =	sadd.s32 $0x200, s20;
	[tilespmem:s19+$0x9031] =	vst v8;
	v3 =	vld [tilespmem:s19+$0x6C30]  }
0x33: {  	[tilespmem:s19+$0xB430] =	vst v4;
	v52 =	vld [tilespmem:s19+$0x6C31]  }
0x34: {  	v5 =	vld [tilespmem:s19+$0x0];
	[tilespmem:s19+$0xB431] =	vst v1  }
0x35: {  	v53 =	vld [tilespmem:s19+$0x10];
	[tilespmem:s19+$0xD830] =	vst v0  }
0x36: {  	v54 =	vld [tilespmem:s19+$0x20];
	[tilespmem:s19+$0xD831] =	vst v2  }
0x37: {  	v55 =	vld [tilespmem:s19+$0x2400];
	[tilespmem:s19+$0xFC30] =	vst v3  }
0x38: {  	v56 =	vld [tilespmem:s19+$0x2410];
	[tilespmem:s19+$0xFC31] =	vst v52  }
0x39: {  	v57 =	vld [tilespmem:s19+$0x2420];
	[tilespmem:s19+$0x9000] =	vst v5  }
0x3a: {  	v58 =	vld [tilespmem:s19+$0x4800];
	[tilespmem:s19+$0x9010] =	vst v53  }
0x3b: {  	v59 =	vld [tilespmem:s19+$0x4810];
	[tilespmem:s19+$0x9020] =	vst v54  }
0x3c: {  	v60 =	vld [tilespmem:s19+$0x4820];
	[tilespmem:s19+$0xB400] =	vst v55  }
0x3d: {  	v61 =	vld [tilespmem:s19+$0x6C00];
	[tilespmem:s19+$0xB410] =	vst v56  }
0x3e: {  	v62 =	vld [tilespmem:s19+$0x6C10];
	[tilespmem:s19+$0xB420] =	vst v57  }
0x3f: {  	v63 =	vld [tilespmem:s19+$0x6C20];
	[tilespmem:s19+$0xD800] =	vst v58  }
0x40: {  	s18 =	smul.u32 $0x2400, s18;
	[tilespmem:s19+$0xD810] =	vst v59  }
0x41: {  	[tilespmem:s19+$0xD820] =	vst v60  }
0x42: {  	s18 =	sadd.s32 s8, s18;
	[tilespmem:s19+$0xFC00] =	vst v61  }
0x43: {  	s18 =	sshrl.u32 s18, $0x3;
	[tilespmem:s19+$0xFC10] =	vst v62  }
0x44: {  	s18 =	sadd.s32 s4, s18;
	[tilespmem:s19+$0xFC20] =	vst v63  }
0x45: {  	[hbm4b:s18+s3] =	stream.linear.scatter [tilespmem:s12], [sflag:$0x1], $0x2080, $0x38;
	[tilespmem:$0x12000] =	vst v63  }
0x46: {  	s17 =	sadd.s32 $0x1, s17;
	s30 =	sadd.s32 $0x480, s18  }
0x47: {  	[hbm4b:s30+s3] =	stream.linear.scatter [tilespmem:s13], [sflag:$0x1], $0x2080, $0x38;
	[tilespmem:$0x12000] =	vst v63  }
0x48: {  	p0 =	sne.s32 s17, $0x4;
	s31 =	sadd.s32 $0x900, s18  }
0x49: {  	[hbm4b:s31+s3] =	stream.linear.scatter [tilespmem:s14], [sflag:$0x1], $0x2080, $0x38;
	[tilespmem:$0x12000] =	vst v63  }
.Ltmp1:
0x4a: {  	s18 =	sadd.s32 $0xD80, s18;
	(pc) =	sbr.rel @p0 .LBB2_2-.Ltmp1, $4  }
0x4b: {  	[hbm4b:s18+s3] =	stream.linear.scatter [tilespmem:s15], [sflag:$0x1], $0x2080, $0x38;
	[tilespmem:$0x12000] =	vst v63  }
0x4c: {  	_ =	swait.ge [sflag:s5], $0x8200  }
0x4d: {  	[sflag:s5] =	ssyncset.done $0x0  }
0x4e: {  	[sflag:s5] =	ssyncadd.s32 $0xFFFF7E00  }
0x4f: {  	s16 =	sadd.s32 $0x1, s16  }
0x50: {  	p0 =	sne.s32 s16, s9  }
.Ltmp2:
0x51: {  	_ = 	snop;
	(pc) =	sbr.rel @p0 .LBB2_1-.Ltmp2, $1  }
0x52: {  	_ =	sdelay $0x3  }
0x53: {  	_ =	sfence.sel $0x180000  }
0x54: {  	[bflag:$0x0] =	sbarrier.arrive $0xFFFF  }
0x55: {  	p0 =	sne.s32 s1, $0x0;
	_ =	strace $0x90000047  }
0x56: {  	s0 =	sadd.s32 @!p0 $0x100000, s0;
	[bflag:$0x2] =	sbarrier.arrive $0xFFFF  }
0x57: {  	[sflag:s0] =	ssyncadd.tile.s32 @!p0 $0x1;
	_ =	shalt  }
.Lfunc_end2:
_tile_overlayer_lowered:
.L_overlay_start_2:
0x58: {  	(tag) =	ssettag $0x2  }
0x59: {  	s0 =	rddreg [dreg:$0x0];
	s2 =	stileid.u32  }
0x5a: {  	s1 =	rddreg [dreg:$0x1];
	p0 =	sne.s32 s2, $0x0  }
0x5b: {  	s3 =	rddreg [dreg:$0x2];
	[bflag:$0x3] =	sbarrier.arrive $0xFFFF;
	s2 =	simm.s32 @!p0 $0x1C01  }
0x5c: {  	[timem:s3], [sflag:s2] =	dma.local @!p0 [hbm:s0], s1  }
0x5d: {  	s0 =	simm.s32 @!p0 $0x1  }
0x5e: {  	_ =	swait.ge @!p0 [sflag:s0], s1  }
0x5f: {  	s1 =	ssub.s32 @!p0 $0x0, s1;
	[sflag:s0] =	ssyncset.done @!p0 $0x0  }
0x60: {  	[sflag:s0] =	ssyncadd.s32 @!p0 s1  }
0x61: {  	[bflag:$0x3] =	sbarrier.arrive $0xFFFF  }
0x62: {  	_ =	shalt  }

</sc_bundles>
